<compile_context>
chip_gen: v7x
topology: tpu7x:2x2x1
jax: 0.10.2.dev20260603
libtpu: 0.0.44.dev20260713+nightly
codegen_flags: <defaults>
</compile_context>

<pallas_src>
import functools

import jax
import jax.numpy as jnp
from jax import lax
from jax.experimental import pallas as pl
from jax.experimental.pallas import tpu as pltpu
from jax.experimental.pallas import tpu_sc as plsc

D = 128


@functools.lru_cache(maxsize=None)
def _make_kernel(B: int, V: int):
  info = plsc.get_sparse_core_info()
  NC, NS = 1, info.num_subcores
  NW = NC * NS
  assert B % (8 * NW) == 0
  b_per_w = B // NW
  mesh = plsc.VectorSubcoreMesh(core_axis_name="c", subcore_axis_name="s",
                                num_cores=1)

  sizes = (b_per_w // 2,) * 2
  assert sum(sizes) == b_per_w and all(s % 8 == 0 for s in sizes)
  offs = tuple(sum(sizes[:i]) for i in range(len(sizes)))
  CH = len(sizes)

  @functools.partial(
      pl.kernel,
      mesh=mesh,
      out_type=jax.ShapeDtypeStruct((B, D), jnp.float32),
      scratch_types=[
          pltpu.VMEM((b_per_w,), jnp.int32),
          pltpu.VMEM((b_per_w, D), jnp.float32),
          pltpu.SemaphoreType.DMA,
          [pltpu.SemaphoreType.DMA] * CH,
          [pltpu.SemaphoreType.DMA] * CH,
          pltpu.SemaphoreType.DMA,
      ],
  )
  def emb_kernel(idx_hbm, table_hbm, pos_hbm, out_hbm, idx_v, acc_v,
                 sem_i, sem_p, sem_g, sem_o):
    wid = lax.axis_index("s") * NC + lax.axis_index("c")
    base = wid * b_per_w
    ci = pltpu.async_copy(idx_hbm.at[pl.ds(base, b_per_w)], idx_v, sem_i)
    pcs = [
        pltpu.async_copy(pos_hbm.at[pl.ds(base + offs[c], sizes[c])],
                         acc_v.at[pl.ds(offs[c], sizes[c])], sem_p[c])
        for c in range(CH)
    ]
    ci.wait()
    gcs = []
    for c in range(CH):
      pcs[c].wait()
      gcs.append(
          pltpu.async_copy(table_hbm.at[idx_v.at[pl.ds(offs[c], sizes[c])]],
                           acc_v.at[pl.ds(offs[c], sizes[c])], sem_g[c],
                           add=True))
    ocs = []
    for c in range(CH):
      gcs[c].wait()
      ocs.append(
          pltpu.async_copy(acc_v.at[pl.ds(offs[c], sizes[c])],
                           out_hbm.at[pl.ds(base + offs[c], sizes[c])], sem_o))
    for o in ocs:
      o.wait()

  return emb_kernel


def kernel(text_ids, text_table, pos_table):
  start_ids = jnp.zeros((1, 1), dtype=jnp.int32)
  end_ids = jnp.ones((1, 1), dtype=jnp.int32)
  ids = jnp.concatenate([start_ids, text_ids, end_ids], axis=-1).reshape(-1)
  B = ids.shape[0]
  V = text_table.shape[0]
  out = _make_kernel(B, V)(ids, text_table, pos_table[:B])
  return out.reshape(1, B, D)

# --- scband reference (transcript-rebuilt; emitter-appended) ---
"""Pipeline reference for scband-index-tts-b-65206193488314 (READ-ONLY COPY).

The authoritative reference and input builder live on the scoring server;
editing this copy changes nothing except your own understanding.
"""

import jax, jax.numpy as jnp
import numpy as np

VOCAB = 100000
D = 128
SEQ_IN = 2046  # becomes 2048 after start/end concat
MAX_LEN = 2048

def setup_inputs(seed: int = 0) -> dict:
    key = jax.random.key(seed)
    k1, k2, k3 = jax.random.split(key, 3)
    text_ids = jax.random.randint(k1, (1, SEQ_IN), 0, VOCAB, dtype=jnp.int32)
    text_table = jax.random.normal(k2, (VOCAB, D), dtype=jnp.float32) * 0.02
    pos_table = jax.random.normal(k3, (MAX_LEN, D), dtype=jnp.float32) * 0.02
    return {"text_ids": text_ids, "text_table": text_table, "pos_table": pos_table}

def reference(text_ids, text_table, pos_table):
    # faithful translation of IndexTTS_B.forward
    start_ids = jnp.zeros((1, 1), dtype=jnp.int32)
    end_ids = jnp.ones((1, 1), dtype=jnp.int32)
    ids = jnp.concatenate([start_ids, text_ids, end_ids], axis=-1)  # [1, L]
    L = ids.shape[-1]
    # token embedding lookup (gather) + learned positional embedding slice
    text_emb = jnp.take(text_table, ids, axis=0) + pos_table[:L]
    return text_emb

if __name__ == "__main__":
    import jax
    _d = setup_inputs()
    print(jax.jit(kernel)(*tuple(_d.values())))

</pallas_src>

<mosaic_0001>
#map = affine_map<(d0, d1) -> (0)>
#map1 = affine_map<(d0, d1) -> (0, 0)>
module attributes {stable_mosaic.version = 14 : i64} {
  func.func @emb_kernel(%arg0: i32, %arg1: i32, %arg2: memref<2048xi32, #tpu.memory_space<hbm>>, %arg3: memref<100000x128xf32, #tpu.memory_space<hbm>>, %arg4: memref<2048x128xf32, #tpu.memory_space<hbm>>, %arg5: memref<2048x128xf32, #tpu.memory_space<hbm>>, %arg6: memref<128xi32, #tpu.memory_space<vmem>>, %arg7: memref<128x128xf32, #tpu.memory_space<vmem>>, %arg8: memref<!tpu.dma_semaphore, #tpu.memory_space<semaphore_mem>>, %arg9: memref<!tpu.dma_semaphore, #tpu.memory_space<semaphore_mem>>, %arg10: memref<!tpu.dma_semaphore, #tpu.memory_space<semaphore_mem>>, %arg11: memref<!tpu.dma_semaphore, #tpu.memory_space<semaphore_mem>>, %arg12: memref<!tpu.dma_semaphore, #tpu.memory_space<semaphore_mem>>, %arg13: memref<!tpu.dma_semaphore, #tpu.memory_space<semaphore_mem>>) attributes {dimension_semantics = [#tpu.dimension_semantics<core_parallel>, #tpu.dimension_semantics<subcore_parallel>], iteration_bounds = array<i64: 1, 16>, scalar_prefetch = 0 : i64, scratch_operands = 8 : i64, tpu.core_type = #tpu.core_type<sc_vector_subcore>, window_params = [{transform_indices = #map}, {transform_indices = #map1}, {transform_indices = #map1}, {transform_indices = #map1}]} {
    %mul3A = arith.constant 1 : i32
    %mul3A_0 = arith.muli %arg1, %mul3A : i32
    %add3A = arith.addi %mul3A_0, %arg0 : i32
    %mul3A_1 = arith.constant 128 : i32
    %mul3A_2 = arith.muli %add3A, %mul3A_1 : i32
    %dma_start3A = tpu.memref_slice %arg2[%mul3A_2] : memref<2048xi32, #tpu.memory_space<hbm>> -> memref<128xi32, #tpu.memory_space<hbm>>
    %dma_start3A_3 = tpu.memref_slice %arg2[%mul3A_2] : memref<2048xi32, #tpu.memory_space<hbm>> -> memref<128xi32, #tpu.memory_space<hbm>>
    tpu.enqueue_dma source(%dma_start3A_3 : memref<128xi32, #tpu.memory_space<hbm>>) target(%arg6 : memref<128xi32, #tpu.memory_space<vmem>>) target_semaphore(%arg8 : memref<!tpu.dma_semaphore, #tpu.memory_space<semaphore_mem>>)
    %add3A_4 = arith.constant 0 : i32
    %add3A_5 = arith.addi %mul3A_2, %add3A_4 : i32
    %dma_start3A_6 = arith.constant 0 : i32
    %dma_start3A_7 = arith.constant 0 : i32
    %dma_start3A_8 = tpu.memref_slice %arg7[%dma_start3A_6, %dma_start3A_7] : memref<128x128xf32, #tpu.memory_space<vmem>> -> memref<64x128xf32, #tpu.memory_space<vmem>>
    %dma_start3A_9 = arith.constant 0 : i32
    %dma_start3A_10 = tpu.memref_slice %arg4[%add3A_5, %dma_start3A_9] : memref<2048x128xf32, #tpu.memory_space<hbm>> -> memref<64x128xf32, #tpu.memory_space<hbm>>
    %dma_start3A_11 = arith.constant 0 : i32
    %dma_start3A_12 = arith.constant 0 : i32
    %dma_start3A_13 = tpu.memref_slice %arg7[%dma_start3A_11, %dma_start3A_12] : memref<128x128xf32, #tpu.memory_space<vmem>> -> memref<64x128xf32, #tpu.memory_space<vmem>>
    %dma_start3A_14 = arith.constant 0 : i32
    %dma_start3A_15 = tpu.memref_slice %arg4[%add3A_5, %dma_start3A_14] : memref<2048x128xf32, #tpu.memory_space<hbm>> -> memref<64x128xf32, #tpu.memory_space<hbm>>
    tpu.enqueue_dma source(%dma_start3A_15 : memref<64x128xf32, #tpu.memory_space<hbm>>) target(%dma_start3A_13 : memref<64x128xf32, #tpu.memory_space<vmem>>) target_semaphore(%arg9 : memref<!tpu.dma_semaphore, #tpu.memory_space<semaphore_mem>>)
    %add3A_16 = arith.constant 64 : i32
    %add3A_17 = arith.addi %mul3A_2, %add3A_16 : i32
    %dma_start3A_18 = arith.constant 64 : i32
    %dma_start3A_19 = arith.constant 0 : i32
    %dma_start3A_20 = tpu.memref_slice %arg7[%dma_start3A_18, %dma_start3A_19] : memref<128x128xf32, #tpu.memory_space<vmem>> -> memref<64x128xf32, #tpu.memory_space<vmem>>
    %dma_start3A_21 = arith.constant 0 : i32
    %dma_start3A_22 = tpu.memref_slice %arg4[%add3A_17, %dma_start3A_21] : memref<2048x128xf32, #tpu.memory_space<hbm>> -> memref<64x128xf32, #tpu.memory_space<hbm>>
    %dma_start3A_23 = arith.constant 64 : i32
    %dma_start3A_24 = arith.constant 0 : i32
    %dma_start3A_25 = tpu.memref_slice %arg7[%dma_start3A_23, %dma_start3A_24] : memref<128x128xf32, #tpu.memory_space<vmem>> -> memref<64x128xf32, #tpu.memory_space<vmem>>
    %dma_start3A_26 = arith.constant 0 : i32
    %dma_start3A_27 = tpu.memref_slice %arg4[%add3A_17, %dma_start3A_26] : memref<2048x128xf32, #tpu.memory_space<hbm>> -> memref<64x128xf32, #tpu.memory_space<hbm>>
    tpu.enqueue_dma source(%dma_start3A_27 : memref<64x128xf32, #tpu.memory_space<hbm>>) target(%dma_start3A_25 : memref<64x128xf32, #tpu.memory_space<vmem>>) target_semaphore(%arg10 : memref<!tpu.dma_semaphore, #tpu.memory_space<semaphore_mem>>)
    %dma_wait3A = tpu.memref_slice %arg2[%mul3A_2] : memref<2048xi32, #tpu.memory_space<hbm>> -> memref<128xi32, #tpu.memory_space<hbm>>
    %dma_wait3A_28 = tpu.memref_slice %arg2[%mul3A_2] : memref<2048xi32, #tpu.memory_space<hbm>> -> memref<128xi32, #tpu.memory_space<hbm>>
    tpu.wait_dma2 semaphore(%arg8 : memref<!tpu.dma_semaphore, #tpu.memory_space<semaphore_mem>>) src(%dma_wait3A_28 : memref<128xi32, #tpu.memory_space<hbm>>) dst(%arg6 : memref<128xi32, #tpu.memory_space<vmem>>)
    %dma_wait3A_29 = arith.constant 0 : i32
    %dma_wait3A_30 = arith.constant 0 : i32
    %dma_wait3A_31 = tpu.memref_slice %arg7[%dma_wait3A_29, %dma_wait3A_30] : memref<128x128xf32, #tpu.memory_space<vmem>> -> memref<64x128xf32, #tpu.memory_space<vmem>>
    %dma_wait3A_32 = arith.constant 0 : i32
    %dma_wait3A_33 = tpu.memref_slice %arg4[%add3A_5, %dma_wait3A_32] : memref<2048x128xf32, #tpu.memory_space<hbm>> -> memref<64x128xf32, #tpu.memory_space<hbm>>
    %dma_wait3A_34 = arith.constant 0 : i32
    %dma_wait3A_35 = arith.constant 0 : i32
    %dma_wait3A_36 = tpu.memref_slice %arg7[%dma_wait3A_34, %dma_wait3A_35] : memref<128x128xf32, #tpu.memory_space<vmem>> -> memref<64x128xf32, #tpu.memory_space<vmem>>
    %dma_wait3A_37 = arith.constant 0 : i32
    %dma_wait3A_38 = tpu.memref_slice %arg4[%add3A_5, %dma_wait3A_37] : memref<2048x128xf32, #tpu.memory_space<hbm>> -> memref<64x128xf32, #tpu.memory_space<hbm>>
    tpu.wait_dma2 semaphore(%arg9 : memref<!tpu.dma_semaphore, #tpu.memory_space<semaphore_mem>>) src(%dma_wait3A_38 : memref<64x128xf32, #tpu.memory_space<hbm>>) dst(%dma_wait3A_36 : memref<64x128xf32, #tpu.memory_space<vmem>>)
    %dma_start3A_39 = arith.constant 0 : i32
    %dma_start3A_40 = arith.constant 0 : i32
    %dma_start3A_41 = tpu.memref_slice %arg7[%dma_start3A_39, %dma_start3A_40] : memref<128x128xf32, #tpu.memory_space<vmem>> -> memref<64x128xf32, #tpu.memory_space<vmem>>
    %dma_start3A_42 = arith.constant 0 : i32
    %dma_start3A_43 = tpu.memref_slice %arg6[%dma_start3A_42] : memref<128xi32, #tpu.memory_space<vmem>> -> memref<64xi32, #tpu.memory_space<vmem>>
    %dma_start3A_44 = arith.constant 0 : i32
    %dma_start3A_45 = arith.constant 0 : i32
    %dma_start3A_46 = tpu.memref_slice %arg3[%dma_start3A_44, %dma_start3A_45] : memref<100000x128xf32, #tpu.memory_space<hbm>> -> memref<100000x128xf32, #tpu.memory_space<hbm>>
    tpu.enqueue_indirect_dma source(%dma_start3A_46 : memref<100000x128xf32, #tpu.memory_space<hbm>>) target(%dma_start3A_41 : memref<64x128xf32, #tpu.memory_space<vmem>>) offsets(%dma_start3A_43 : memref<64xi32, #tpu.memory_space<vmem>>) semaphore(%arg11 : memref<!tpu.dma_semaphore, #tpu.memory_space<semaphore_mem>>) {add = true}
    %dma_wait3A_47 = arith.constant 64 : i32
    %dma_wait3A_48 = arith.constant 0 : i32
    %dma_wait3A_49 = tpu.memref_slice %arg7[%dma_wait3A_47, %dma_wait3A_48] : memref<128x128xf32, #tpu.memory_space<vmem>> -> memref<64x128xf32, #tpu.memory_space<vmem>>
    %dma_wait3A_50 = arith.constant 0 : i32
    %dma_wait3A_51 = tpu.memref_slice %arg4[%add3A_17, %dma_wait3A_50] : memref<2048x128xf32, #tpu.memory_space<hbm>> -> memref<64x128xf32, #tpu.memory_space<hbm>>
    %dma_wait3A_52 = arith.constant 64 : i32
    %dma_wait3A_53 = arith.constant 0 : i32
    %dma_wait3A_54 = tpu.memref_slice %arg7[%dma_wait3A_52, %dma_wait3A_53] : memref<128x128xf32, #tpu.memory_space<vmem>> -> memref<64x128xf32, #tpu.memory_space<vmem>>
    %dma_wait3A_55 = arith.constant 0 : i32
    %dma_wait3A_56 = tpu.memref_slice %arg4[%add3A_17, %dma_wait3A_55] : memref<2048x128xf32, #tpu.memory_space<hbm>> -> memref<64x128xf32, #tpu.memory_space<hbm>>
    tpu.wait_dma2 semaphore(%arg10 : memref<!tpu.dma_semaphore, #tpu.memory_space<semaphore_mem>>) src(%dma_wait3A_56 : memref<64x128xf32, #tpu.memory_space<hbm>>) dst(%dma_wait3A_54 : memref<64x128xf32, #tpu.memory_space<vmem>>)
    %dma_start3A_57 = arith.constant 64 : i32
    %dma_start3A_58 = arith.constant 0 : i32
    %dma_start3A_59 = tpu.memref_slice %arg7[%dma_start3A_57, %dma_start3A_58] : memref<128x128xf32, #tpu.memory_space<vmem>> -> memref<64x128xf32, #tpu.memory_space<vmem>>
    %dma_start3A_60 = arith.constant 64 : i32
    %dma_start3A_61 = tpu.memref_slice %arg6[%dma_start3A_60] : memref<128xi32, #tpu.memory_space<vmem>> -> memref<64xi32, #tpu.memory_space<vmem>>
    %dma_start3A_62 = arith.constant 0 : i32
    %dma_start3A_63 = arith.constant 0 : i32
    %dma_start3A_64 = tpu.memref_slice %arg3[%dma_start3A_62, %dma_start3A_63] : memref<100000x128xf32, #tpu.memory_space<hbm>> -> memref<100000x128xf32, #tpu.memory_space<hbm>>
    tpu.enqueue_indirect_dma source(%dma_start3A_64 : memref<100000x128xf32, #tpu.memory_space<hbm>>) target(%dma_start3A_59 : memref<64x128xf32, #tpu.memory_space<vmem>>) offsets(%dma_start3A_61 : memref<64xi32, #tpu.memory_space<vmem>>) semaphore(%arg12 : memref<!tpu.dma_semaphore, #tpu.memory_space<semaphore_mem>>) {add = true}
    %dma_wait3A_65 = arith.constant 0 : i32
    %dma_wait3A_66 = arith.constant 0 : i32
    %dma_wait3A_67 = tpu.memref_slice %arg7[%dma_wait3A_65, %dma_wait3A_66] : memref<128x128xf32, #tpu.memory_space<vmem>> -> memref<64x128xf32, #tpu.memory_space<vmem>>
    %dma_wait3A_68 = arith.constant 0 : i32
    %dma_wait3A_69 = tpu.memref_slice %arg6[%dma_wait3A_68] : memref<128xi32, #tpu.memory_space<vmem>> -> memref<64xi32, #tpu.memory_space<vmem>>
    %dma_wait3A_70 = arith.constant 0 : i32
    %dma_wait3A_71 = arith.constant 0 : i32
    %dma_wait3A_72 = tpu.memref_slice %arg3[%dma_wait3A_70, %dma_wait3A_71] : memref<100000x128xf32, #tpu.memory_space<hbm>> -> memref<100000x128xf32, #tpu.memory_space<hbm>>
    tpu.wait_indirect_dma semaphore(%arg11 : memref<!tpu.dma_semaphore, #tpu.memory_space<semaphore_mem>>) src(%dma_wait3A_72 : memref<100000x128xf32, #tpu.memory_space<hbm>>) dst(%dma_wait3A_67 : memref<64x128xf32, #tpu.memory_space<vmem>>)
    %add3A_73 = arith.constant 0 : i32
    %add3A_74 = arith.addi %mul3A_2, %add3A_73 : i32
    %dma_start3A_75 = arith.constant 0 : i32
    %dma_start3A_76 = arith.constant 0 : i32
    %dma_start3A_77 = tpu.memref_slice %arg7[%dma_start3A_75, %dma_start3A_76] : memref<128x128xf32, #tpu.memory_space<vmem>> -> memref<64x128xf32, #tpu.memory_space<vmem>>
    %dma_start3A_78 = arith.constant 0 : i32
    %dma_start3A_79 = tpu.memref_slice %arg5[%add3A_74, %dma_start3A_78] : memref<2048x128xf32, #tpu.memory_space<hbm>> -> memref<64x128xf32, #tpu.memory_space<hbm>>
    %dma_start3A_80 = arith.constant 0 : i32
    %dma_start3A_81 = tpu.memref_slice %arg5[%add3A_74, %dma_start3A_80] : memref<2048x128xf32, #tpu.memory_space<hbm>> -> memref<64x128xf32, #tpu.memory_space<hbm>>
    %dma_start3A_82 = arith.constant 0 : i32
    %dma_start3A_83 = arith.constant 0 : i32
    %dma_start3A_84 = tpu.memref_slice %arg7[%dma_start3A_82, %dma_start3A_83] : memref<128x128xf32, #tpu.memory_space<vmem>> -> memref<64x128xf32, #tpu.memory_space<vmem>>
    tpu.enqueue_dma source(%dma_start3A_84 : memref<64x128xf32, #tpu.memory_space<vmem>>) target(%dma_start3A_81 : memref<64x128xf32, #tpu.memory_space<hbm>>) target_semaphore(%arg13 : memref<!tpu.dma_semaphore, #tpu.memory_space<semaphore_mem>>)
    %dma_wait3A_85 = arith.constant 64 : i32
    %dma_wait3A_86 = arith.constant 0 : i32
    %dma_wait3A_87 = tpu.memref_slice %arg7[%dma_wait3A_85, %dma_wait3A_86] : memref<128x128xf32, #tpu.memory_space<vmem>> -> memref<64x128xf32, #tpu.memory_space<vmem>>
    %dma_wait3A_88 = arith.constant 64 : i32
    %dma_wait3A_89 = tpu.memref_slice %arg6[%dma_wait3A_88] : memref<128xi32, #tpu.memory_space<vmem>> -> memref<64xi32, #tpu.memory_space<vmem>>
    %dma_wait3A_90 = arith.constant 0 : i32
    %dma_wait3A_91 = arith.constant 0 : i32
    %dma_wait3A_92 = tpu.memref_slice %arg3[%dma_wait3A_90, %dma_wait3A_91] : memref<100000x128xf32, #tpu.memory_space<hbm>> -> memref<100000x128xf32, #tpu.memory_space<hbm>>
    tpu.wait_indirect_dma semaphore(%arg12 : memref<!tpu.dma_semaphore, #tpu.memory_space<semaphore_mem>>) src(%dma_wait3A_92 : memref<100000x128xf32, #tpu.memory_space<hbm>>) dst(%dma_wait3A_87 : memref<64x128xf32, #tpu.memory_space<vmem>>)
    %add3A_93 = arith.constant 64 : i32
    %add3A_94 = arith.addi %mul3A_2, %add3A_93 : i32
    %dma_start3A_95 = arith.constant 64 : i32
    %dma_start3A_96 = arith.constant 0 : i32
    %dma_start3A_97 = tpu.memref_slice %arg7[%dma_start3A_95, %dma_start3A_96] : memref<128x128xf32, #tpu.memory_space<vmem>> -> memref<64x128xf32, #tpu.memory_space<vmem>>
    %dma_start3A_98 = arith.constant 0 : i32
    %dma_start3A_99 = tpu.memref_slice %arg5[%add3A_94, %dma_start3A_98] : memref<2048x128xf32, #tpu.memory_space<hbm>> -> memref<64x128xf32, #tpu.memory_space<hbm>>
    %dma_start3A_100 = arith.constant 0 : i32
    %dma_start3A_101 = tpu.memref_slice %arg5[%add3A_94, %dma_start3A_100] : memref<2048x128xf32, #tpu.memory_space<hbm>> -> memref<64x128xf32, #tpu.memory_space<hbm>>
    %dma_start3A_102 = arith.constant 64 : i32
    %dma_start3A_103 = arith.constant 0 : i32
    %dma_start3A_104 = tpu.memref_slice %arg7[%dma_start3A_102, %dma_start3A_103] : memref<128x128xf32, #tpu.memory_space<vmem>> -> memref<64x128xf32, #tpu.memory_space<vmem>>
    tpu.enqueue_dma source(%dma_start3A_104 : memref<64x128xf32, #tpu.memory_space<vmem>>) target(%dma_start3A_101 : memref<64x128xf32, #tpu.memory_space<hbm>>) target_semaphore(%arg13 : memref<!tpu.dma_semaphore, #tpu.memory_space<semaphore_mem>>)
    %dma_wait3A_105 = arith.constant 0 : i32
    %dma_wait3A_106 = arith.constant 0 : i32
    %dma_wait3A_107 = tpu.memref_slice %arg7[%dma_wait3A_105, %dma_wait3A_106] : memref<128x128xf32, #tpu.memory_space<vmem>> -> memref<64x128xf32, #tpu.memory_space<vmem>>
    %dma_wait3A_108 = arith.constant 0 : i32
    %dma_wait3A_109 = tpu.memref_slice %arg5[%add3A_74, %dma_wait3A_108] : memref<2048x128xf32, #tpu.memory_space<hbm>> -> memref<64x128xf32, #tpu.memory_space<hbm>>
    %dma_wait3A_110 = arith.constant 0 : i32
    %dma_wait3A_111 = tpu.memref_slice %arg5[%add3A_74, %dma_wait3A_110] : memref<2048x128xf32, #tpu.memory_space<hbm>> -> memref<64x128xf32, #tpu.memory_space<hbm>>
    %dma_wait3A_112 = arith.constant 0 : i32
    %dma_wait3A_113 = arith.constant 0 : i32
    %dma_wait3A_114 = tpu.memref_slice %arg7[%dma_wait3A_112, %dma_wait3A_113] : memref<128x128xf32, #tpu.memory_space<vmem>> -> memref<64x128xf32, #tpu.memory_space<vmem>>
    tpu.wait_dma2 semaphore(%arg13 : memref<!tpu.dma_semaphore, #tpu.memory_space<semaphore_mem>>) src(%dma_wait3A_114 : memref<64x128xf32, #tpu.memory_space<vmem>>) dst(%dma_wait3A_111 : memref<64x128xf32, #tpu.memory_space<hbm>>)
    %dma_wait3A_115 = arith.constant 64 : i32
    %dma_wait3A_116 = arith.constant 0 : i32
    %dma_wait3A_117 = tpu.memref_slice %arg7[%dma_wait3A_115, %dma_wait3A_116] : memref<128x128xf32, #tpu.memory_space<vmem>> -> memref<64x128xf32, #tpu.memory_space<vmem>>
    %dma_wait3A_118 = arith.constant 0 : i32
    %dma_wait3A_119 = tpu.memref_slice %arg5[%add3A_94, %dma_wait3A_118] : memref<2048x128xf32, #tpu.memory_space<hbm>> -> memref<64x128xf32, #tpu.memory_space<hbm>>
    %dma_wait3A_120 = arith.constant 0 : i32
    %dma_wait3A_121 = tpu.memref_slice %arg5[%add3A_94, %dma_wait3A_120] : memref<2048x128xf32, #tpu.memory_space<hbm>> -> memref<64x128xf32, #tpu.memory_space<hbm>>
    %dma_wait3A_122 = arith.constant 64 : i32
    %dma_wait3A_123 = arith.constant 0 : i32
    %dma_wait3A_124 = tpu.memref_slice %arg7[%dma_wait3A_122, %dma_wait3A_123] : memref<128x128xf32, #tpu.memory_space<vmem>> -> memref<64x128xf32, #tpu.memory_space<vmem>>
    tpu.wait_dma2 semaphore(%arg13 : memref<!tpu.dma_semaphore, #tpu.memory_space<semaphore_mem>>) src(%dma_wait3A_124 : memref<64x128xf32, #tpu.memory_space<vmem>>) dst(%dma_wait3A_121 : memref<64x128xf32, #tpu.memory_space<hbm>>)
    return
  }
}

</mosaic_0001>

<sc_bundles>
// kernel: kernel.3.cloned.1.call-start
scs
__scs_entry_jumppad:
0x0: {  	(pc) =	sbr.rel $0x88, $3  }
0x1: {  	(tag) =	ssettag $0x0;
	lr =	simm.s32 $0x1  }
0x2: {  	[smem:$0x3F9E] =	sst lr;
	_ =	strace $0xD0000000  }
0x3: {  	_ = 	snop  }
0x4: {  	_ = 	snop  }
0x5: {  	_ = 	snop  }
0x6: {  	_ = 	snop  }
0x7: {  	_ = 	snop  }
__scs_overlays_trampoline_lowered:
0x8: {  	[smem:$0x3FAD] =	sst s0  }
0x9: {  	[smem:$0x3FAE] =	sst s1  }
0xa: {  	[smem:$0x3FAF] =	sst s2  }
0xb: {  	[smem:$0x3FB0] =	sst s3  }
0xc: {  	[smem:$0x3FB1] =	sst s4  }
0xd: {  	[smem:$0x3FB2] =	sst s5  }
0xe: {  	[smem:$0x3FB3] =	sst s6  }
0xf: {  	[smem:$0x3FB4] =	sst s7  }
0x10: {  	[smem:$0x3FB5] =	sst s8  }
0x11: {  	[smem:$0x3FB6] =	sst s9;
	s0 =	simm.s32 @!p0 $0x0  }
0x12: {  	s1 =	sld [smem:$0x3F9C];
	s0 =	simm.s32 @p0 $0x1  }
0x13: {  	[smem:$0x3FB7] =	sst s0;
	s0 =	simm.s32 @!p1 $0x0  }
0x14: {  	s2 =	sld [smem:$0x3F9B];
	s0 =	simm.s32 @p1 $0x1  }
0x15: {  	[smem:$0x3FB8] =	sst s0;
	s0 =	simm.s32 @!p2 $0x0  }
0x16: {  	s3 =	sld [smem:$0x3FDB];
	s0 =	simm.s32 @p2 $0x1  }
0x17: {  	s4 =	simm.s32 $0x1BF5;
	[smem:$0x3FBA] =	sst s0  }
0x18: {  	s0 =	sld [smem:$0x3F9D];
	_ =	swait.ge [sflag:s4], $0x0  }
0x19: {  	s7 =	sld [smem:$0x3F9E]  }
0x1a: {  	s8 =	sadd.s32 $0xFFFFE003, lr  }
0x1b: {  	s9 =	sadd.s32 $0xFFFFFEF7, lr;
	s5 =	simm.s32 $0xFFFFFFFF;
	p2 =	slt.u32 s8, $0xFFFFF086  }
0x1c: {  	p1 =	slt.u32 s9, $0xF7A;
	s5 =	simm.s32 @!p2 $0x0  }
0x1d: {  	s5 =	simm.s32 @p1 $0x1;
	p0 =	seq.s32 s7, s2  }
0x1e: {  	s7 =	smul.u32 @!p0 $0xF7A, s2;
	p2 =	seq.s32 @!p0 s5, $0x0  }
0x1f: {  	s9 =	smul.u32 $0xF7A, s1;
	s8 =	simm.s32 @!p0 $0x1BF5;
	p2 =	por !p2, p0  }
0x20: {  	[sflag:s8] =	ssyncset.s32 @!p0 $0xFFFFF086;
	s6 =	sadd.s32 @!p0 s3, s7;
	s7 =	simm.s32 @!p0 $0x108  }
0x21: {  	s3 =	sadd.s32 s3, s9;
	s6 =	sadd.s32 @!p0 $0x88, s6;
	s7 =	simm.s32 @p2 $0x1082  }
0x22: {  	[simem:s7], [sflag:s8] =	dma.local @!p0 [hbm:s6], $0xF7A  }
0x23: {  	s9 =	sor.u32 $0xD0000000, s2;
	s6 =	simm.s32 $0x108;
	_ =	swait.ge @!p0 [sflag:s8], $0x0  }
0x24: {  	s3 =	sadd.s32 $0x88, s3;
	s6 =	simm.s32 @!p1 $0x1082;
	[sflag:s4] =	ssyncset.s32 $0xFFFFF086  }
0x25: {  	[simem:s6], [sflag:s4] =	dma.local [hbm:s3], $0xF7A  }
0x26: {  	[smem:$0x3F9E] =	sst s1;
	(tag) =	ssettag s2;
	_ =	strace s9  }
0x27: {  	s1 =	sld [smem:$0x3FAE]  }
0x28: {  	s2 =	sld [smem:$0x3FAF]  }
0x29: {  	s4 =	sld [smem:$0x3FB1]  }
0x2a: {  	p0 =	seq.s32 s5, $0x0;
	s5 =	sld [smem:$0x3FB2]  }
0x2b: {  	s6 =	sld [smem:$0x3FB3]  }
0x2c: {  	s7 =	sld [smem:$0x3FB4]  }
0x2d: {  	s3 =	simm.s32 $0x108;
	s8 =	sld [smem:$0x3FB5]  }
0x2e: {  	s3 =	simm.s32 @!p0 $0x1082;
	s9 =	sld [smem:$0x3FB6]  }
0x2f: {  	lr =	sadd.s32 s0, s3;
	s0 =	sld [smem:$0x3FAD]  }
0x30: {  	s3 =	sld [smem:$0x3FB0]  }
0x31: {  	[smem:$0x3FB9] =	sst s10  }
0x32: {  	s10 =	sld [smem:$0x3FB7];
	_ =	sdelay $0x3  }
0x33: {  	p0 =	seq.s32 s10, $0x1;
	s10 =	sld [smem:$0x3FB9];
	_ =	sdelay $0x3  }
0x34: {  	[smem:$0x3FB9] =	sst s10  }
0x35: {  	s10 =	sld [smem:$0x3FB8];
	_ =	sdelay $0x3  }
0x36: {  	p1 =	seq.s32 s10, $0x1;
	s10 =	sld [smem:$0x3FB9];
	_ =	sdelay $0x3  }
0x37: {  	[smem:$0x3FB9] =	sst s10  }
0x38: {  	s10 =	sld [smem:$0x3FBA]  }
0x39: {  	_ = 	snop;
	(pc) =	sbr.ind lr, $3  }
0x3a: {  	_ = 	snop  }
0x3b: {  	_ = 	snop  }
0x3c: {  	p2 =	seq.s32 s10, $0x1;
	s10 =	sld [smem:$0x3FB9]  }
0x3d: {  	_ =	shalt  }
0x3e: {  	_ =	shalt  }
0x3f: {  	_ =	shalt  }
0x40: {  	_ =	shalt  }
0x41: {  	_ =	shalt  }
0x42: {  	_ =	shalt  }
0x43: {  	_ =	shalt  }
0x44: {  	_ =	shalt  }
0x45: {  	_ =	shalt  }
0x46: {  	_ =	shalt  }
0x47: {  	_ =	shalt  }
0x48: {  	_ =	shalt  }
0x49: {  	_ =	shalt  }
0x4a: {  	_ =	shalt  }
0x4b: {  	_ =	shalt  }
0x4c: {  	_ =	shalt  }
0x4d: {  	_ =	shalt  }
0x4e: {  	_ =	shalt  }
0x4f: {  	_ =	shalt  }
0x50: {  	_ =	shalt  }
0x51: {  	_ =	shalt  }
0x52: {  	_ =	shalt  }
0x53: {  	_ =	shalt  }
0x54: {  	_ =	shalt  }
0x55: {  	_ =	shalt  }
0x56: {  	_ =	shalt  }
0x57: {  	_ =	shalt  }
0x58: {  	_ =	shalt  }
0x59: {  	_ =	shalt  }
0x5a: {  	_ =	shalt  }
0x5b: {  	_ =	shalt  }
0x5c: {  	_ =	shalt  }
0x5d: {  	_ =	shalt  }
0x5e: {  	_ =	shalt  }
0x5f: {  	_ =	shalt  }
0x60: {  	_ =	shalt  }
0x61: {  	_ =	shalt  }
0x62: {  	_ =	shalt  }
0x63: {  	_ =	shalt  }
0x64: {  	_ =	shalt  }
0x65: {  	_ =	shalt  }
0x66: {  	_ =	shalt  }
0x67: {  	_ =	shalt  }
0x68: {  	_ =	shalt  }
0x69: {  	_ =	shalt  }
0x6a: {  	_ =	shalt  }
0x6b: {  	_ =	shalt  }
0x6c: {  	_ =	shalt  }
0x6d: {  	_ =	shalt  }
0x6e: {  	_ =	shalt  }
0x6f: {  	_ =	shalt  }
0x70: {  	_ =	shalt  }
0x71: {  	_ =	shalt  }
0x72: {  	_ =	shalt  }
0x73: {  	_ =	shalt  }
0x74: {  	_ =	shalt  }
0x75: {  	_ =	shalt  }
0x76: {  	_ =	shalt  }
0x77: {  	_ =	shalt  }
0x78: {  	_ =	shalt  }
0x79: {  	_ =	shalt  }
0x7a: {  	_ =	shalt  }
0x7b: {  	_ =	shalt  }
0x7c: {  	_ =	shalt  }
0x7d: {  	_ =	shalt  }
0x7e: {  	_ =	shalt  }
0x7f: {  	_ =	shalt  }
0x80: {  	_ =	shalt  }
0x81: {  	_ =	shalt  }
0x82: {  	_ =	shalt  }
0x83: {  	_ =	shalt  }
0x84: {  	_ =	shalt  }
0x85: {  	_ =	shalt  }
0x86: {  	_ =	shalt  }
0x87: {  	_ =	shalt  }
.Lfunc_end0:
.L_simem_size_0:
called_computation_lowered:
.L_overlay_start_0:
0x88: {  	s0 =	sld [smem:$0x3FD9]  }
0x89: {  	s1 =	sld [smem:$0x3FFE];
	_ =	sdelay $0x3  }
0x8a: {  	s0 =	sadd.s32 s1, s0  }
0x8b: {  	[smem:$0x3FC5] =	sst s0  }
0x8c: {  	_ = 	snop  }
0x8d: {  	s0 =	sld [smem:$0x3FC8]  }
0x8e: {  	s16 =	sld [smem:$0x3FC7]  }
0x8f: {  	s2 =	sld [smem:$0x3FD0];
	(tm) =	ssettm $0x1  }
0x90: {  	s3 =	sld [smem:$0x3FFB];
	_ =	sdelay $0x3  }
0x91: {  	_ =	strace s3  }
0x92: {  	s3 =	sld [smem:$0x3FFC];
	_ =	sdelay $0x3  }
0x93: {  	_ =	strace s3  }
0x94: {  	s3 =	sld [smem:$0x3FFD];
	_ =	sdelay $0x3  }
0x95: {  	_ =	strace s3  }
0x96: {  	_ =	strace $0x8FFFFFFF  }
0x97: {  	s17 =	sld [smem:$0x3FDB];
	_ =	sdelay $0x1  }
0x98: {  	s4 =	simm.s32 $_scs_section_size  }
0x99: {  	s5 =	simm.s32 $_size__tile_overlayer_lowered;
	s6 =	simm.s32 $_tile_overlayer_lowered  }
0x9a: {  	s20 =	simm.s32 $0x1BFF;
	s19 =	sshll.u32 s6, $0x1;
	s3 =	sadd.s32 s4, s17  }
0x9b: {  	s7 =	simm.s32 $0x0;
	s18 =	sshll.u32 s5, $0x1;
	s5 =	sadd.s32 s19, s3  }
0x9c: {  	[timem:s7], [sflag:s20] =	dma.local [hbm:s5], s18  }
0x9d: {  	_ =	swait.ge [sflag:s20], s18  }
0x9e: {  	s4 =	ssub.s32 $0x0, s18;
	[sflag:s20] =	ssyncset.done $0x0  }
0x9f: {  	[sflag:s20] =	ssyncadd.s32 s4;
	_ =	sdelay $0x1  }
0xa0: {  	s21 =	simm.s32 $0x1B8B  }
0xa1: {  	_ =	swait.ge [sflag:s21], $0x1  }
0xa2: {  	[sflag:s21] =	ssyncset.done $0x0  }
0xa3: {  	s23 =	simm.s32 $0x1B8E;
	s22 =	sld [smem:$0x3FFE];
	[sflag:s21] =	ssyncadd.s32 $0xFFFFFFFF  }
0xa4: {  	s24 =	simm.s32 $execute0_lowered;
	[smem:$0x3FD2] =	sst s23  }
0xa5: {  	s5 =	sshll.u32 s24, $0x1;
	_ =	strace $0x80000046;
	[dreg:$0x1] =	wrdreg $0xFFFFFFFF  }
0xa6: {  	s25 =	simm.s32 $_size_execute0_lowered;
	s3 =	sadd.s32 s3, s5;
	[dreg:$0x0] =	wrdreg $0x0  }
0xa7: {  	s5 =	sshll.u32 s25, $0x1;
	[dreg:$0x2] =	wrdreg s3  }
0xa8: {  	[dreg:$0x3] =	wrdreg s5  }
0xa9: {  	[dreg:$0x4] =	wrdreg $0xC0  }
0xaa: {  	_ =	task [dreg:s7], $0x5FFFF  }
0xab: {  	[dreg:$0x1] =	wrdreg $0xFFFFFFFF  }
0xac: {  	[dreg:$0x0] =	wrdreg $0x60  }
0xad: {  	[dreg:$0x2] =	wrdreg s22  }
0xae: {  	[dreg:$0x3] =	wrdreg s0  }
0xaf: {  	[dreg:$0x4] =	wrdreg s16  }
0xb0: {  	[dreg:$0x5] =	wrdreg s2  }
0xb1: {  	[dreg:$0x6] =	wrdreg $0x9  }
0xb2: {  	_ =	task.clear_ibuf [dreg:s7], $0x7FFFF;
	_ =	strace $0x90000046  }
0xb3: {  	s26 =	simm.s32 $0x9;
	_ =	strace $0x80000048  }
0xb4: {  	_ =	swait.ge [sflag:s26], $0x1  }
0xb5: {  	[sflag:s26] =	ssyncadd.s32 $0xFFFFFFFF  }
0xb6: {  	_ =	strace $0x90000048  }
0xb7: {  	_ =	sfence  }
0xb8: {  	s28 =	sld [smem:$0x0];
	_ =	sdelay $0x1  }
0xb9: {  	s29 =	srdreg.scid  }
0xba: {  	s30 =	sshll.u32 s29, $0xD;
	s31 =	sshrl.u32 s29, $0x2  }
0xbb: {  	s1 =	sand.u32 $0x1, s29;
	s2 =	sand.u32 $0x4000, s30;
	s0 =	sadd.s32 s31, s28  }
0xbc: {  	s1 =	sor.u32 s2, s1;
	s0 =	sshll.u32 s0, $0x11  }
0xbd: {  	s0 =	sor.u32 s0, s1  }
0xbe: {  	s0 =	sadd.s32 $0x8F2B, s0  }
0xbf: {  	[sflag:s0] =	ssyncadd.remote.s32 $0x1  }
0xc0: {  	_ =	sfence.sel $0xFFFF  }
0xc1: {  	[dreg:$0x0] =	wrdreg $0xFFFFFFFF;
	(pc) =	sbr.abs _section_cstart, $3  }
0xc2: {  	[dreg:$0x1] =	wrdreg $0xFFFFFFFF  }
0xc3: {  	_ =	task.clear_ibuf [dreg:s7], $0x2FFFF;
	_ =	strace $0x9FFFFFFF  }
0xc4: {  	(tm) =	ssettm $0x7FFFFFFF  }
0xc5: {  	_ =	shalt  }
tec
execute0_lowered:
.L_overlay_start_1:
0x0: {  	(tag) =	ssettag $0x1  }
0x1: {  	s0 =	rddreg [dreg:$0x0]  }
0x2: {  	s1 =	rddreg [dreg:$0x1]  }
0x3: {  	s2 =	rddreg [dreg:$0x2]  }
0x4: {  	s3 =	rddreg [dreg:$0x3];
	s4 =	stileid.u32  }
0x5: {  	s5 =	rddreg [dreg:$0x4];
	s6 =	simm.s32 $0x0;
	s7 =	sshll.u32 s4, $0x4  }
0x6: {  	[smem:$0x7FF] =	sst s6;
	s0 =	sadd.s32 s7, s0  }
0x7: {  	s19 =	sshll.u32 s4, $0xB;
	_ =	strace $0x80000047;
	s0 =	sadd.s32 $0x400, s0  }
0x8: {  	[tilespmem:s6], [sflag:$0x1] =	stream.linear.gather [hbm4b:s0+s6], $0x80, $0x38;
	[tilespmem:$0x4080] =	vst v63  }
0x9: {  	s9 =	simm.s32 $0x80;
	s20 =	sadd.s32 s2, s19;
	s8 =	sor.u32 $0x400, s19  }
0xa: {  	[tilespmem:s9], [sflag:$0x2] =	stream.linear.gather [hbm4b:s20+s6], $0x2000, $0x38;
	[tilespmem:$0x4080] =	vst v63  }
0xb: {  	s22 =	simm.s32 $0x2080;
	s23 =	simm.s32 $0x1;
	s21 =	sadd.s32 s2, s8  }
0xc: {  	[tilespmem:s22], [sflag:$0x3] =	stream.linear.gather [hbm4b:s21+s6], $0x2000, $0x38;
	[tilespmem:$0x4080] =	vst v63  }
0xd: {  	_ =	swait.ge [sflag:s23], $0x80  }
0xe: {  	[sflag:s23] =	ssyncset.done $0x0  }
0xf: {  	s24 =	simm.s32 $0x2;
	[sflag:s23] =	ssyncadd.s32 $0xFFFFFF80  }
0x10: {  	_ =	swait.ge [sflag:s24], $0x2000  }
0x11: {  	[sflag:s24] =	ssyncset.done $0x0  }
0x12: {  	s25 =	simm.s32 $0x40;
	s10 =	simm.s32 $0x3;
	[sflag:s24] =	ssyncadd.s32 $0xFFFFE000  }
0x13: {  	[tilespmem:s9], [sflag:$0x4] =	stream.indirect.gather.add.f32 [hbm:s1], $0x80, s6, s25, $0xb8;
	[tilespmem:$0x4080] =	vst v63  }
0x14: {  	_ =	swait.ge [sflag:s10], $0x2000  }
0x15: {  	[sflag:s10] =	ssyncset.done $0x0  }
0x16: {  	s26 =	simm.s32 $0x4;
	[sflag:s10] =	ssyncadd.s32 $0xFFFFE000  }
0x17: {  	[tilespmem:s22], [sflag:$0x5] =	stream.indirect.gather.add.f32 [hbm:s1], $0x80, s25, s25, $0xb8;
	[tilespmem:$0x4080] =	vst v63  }
0x18: {  	_ =	swait.ge [sflag:s26], $0x2000  }
0x19: {  	[sflag:s26] =	ssyncset.done $0x0  }
0x1a: {  	s29 =	simm.s32 $0x5;
	s28 =	sadd.s32 s3, s19;
	[sflag:s26] =	ssyncadd.s32 $0xFFFFE000  }
0x1b: {  	[hbm4b:s28+s6] =	stream.linear.scatter [tilespmem:s9], [sflag:$0x6], $0x2000, $0x38;
	[tilespmem:$0x4080] =	vst v63  }
0x1c: {  	_ =	swait.ge [sflag:s29], $0x2000  }
0x1d: {  	[sflag:s29] =	ssyncset.done $0x0  }
0x1e: {  	s31 =	simm.s32 $0x6;
	s30 =	sadd.s32 s3, s8;
	[sflag:s29] =	ssyncadd.s32 $0xFFFFE000  }
0x1f: {  	[hbm4b:s30+s6] =	stream.linear.scatter [tilespmem:s22], [sflag:$0x6], $0x2000, $0x38;
	[tilespmem:$0x4080] =	vst v63  }
0x20: {  	_ =	swait.ge [sflag:s31], $0x2000  }
0x21: {  	[sflag:s31] =	ssyncset.done $0x0  }
0x22: {  	[sflag:s31] =	ssyncadd.s32 $0xFFFFE000  }
0x23: {  	_ =	swait.ge [sflag:s31], $0x2000  }
0x24: {  	[sflag:s31] =	ssyncset.done $0x0  }
0x25: {  	[sflag:s31] =	ssyncadd.s32 $0xFFFFE000  }
0x26: {  	_ =	sfence.sel $0x180000  }
0x27: {  	[bflag:$0x0] =	sbarrier.arrive $0xFFFF  }
0x28: {  	p0 =	sne.s32 s4, $0x0;
	_ =	strace $0x90000047  }
0x29: {  	s0 =	sadd.s32 @!p0 $0x100000, s5;
	[bflag:$0x2] =	sbarrier.arrive $0xFFFF  }
0x2a: {  	[sflag:s0] =	ssyncadd.tile.s32 @!p0 $0x1;
	_ =	shalt  }
.Lfunc_end2:
_tile_overlayer_lowered:
.L_overlay_start_2:
0x2b: {  	(tag) =	ssettag $0x2  }
0x2c: {  	s0 =	rddreg [dreg:$0x0];
	s2 =	stileid.u32  }
0x2d: {  	s1 =	rddreg [dreg:$0x1];
	p0 =	sne.s32 s2, $0x0  }
0x2e: {  	s3 =	rddreg [dreg:$0x2];
	[bflag:$0x3] =	sbarrier.arrive $0xFFFF;
	s2 =	simm.s32 @!p0 $0x1C07  }
0x2f: {  	[timem:s3], [sflag:s2] =	dma.local @!p0 [hbm:s0], s1  }
0x30: {  	s0 =	simm.s32 @!p0 $0x7  }
0x31: {  	_ =	swait.ge @!p0 [sflag:s0], s1  }
0x32: {  	s1 =	ssub.s32 @!p0 $0x0, s1;
	[sflag:s0] =	ssyncset.done @!p0 $0x0  }
0x33: {  	[sflag:s0] =	ssyncadd.s32 @!p0 s1  }
0x34: {  	[bflag:$0x3] =	sbarrier.arrive $0xFFFF  }
0x35: {  	_ =	shalt  }

</sc_bundles>
